<compile_context>
chip_gen: v7x
topology: tpu7x:2x2x1
jax: 0.10.2.dev20260603
libtpu: 0.0.44.dev20260713+nightly
codegen_flags: <defaults>
</compile_context>

<pallas_src>
import dataclasses
import functools

import jax
import jax.numpy as jnp
from jax.experimental import pallas as pl
from jax.experimental.pallas import tpu as pltpu
from jax.experimental.pallas import tpu_sc as plsc

_SC_CORES = 2
_SC_SUBCORES = 16
_SC_WORKERS = _SC_CORES * _SC_SUBCORES


def _sc_gather_pool_t(tbl_t, idx, batch, ctx):
    d, vocab = tbl_t.shape
    n = idx.shape[0]
    mesh = plsc.VectorSubcoreMesh(core_axis_name="c", subcore_axis_name="s")
    cp = pltpu.CompilerParams()
    if "needs_layout_passes" in pltpu.CompilerParams.__dataclass_fields__:
        cp = dataclasses.replace(cp, needs_layout_passes=False)

    @pl.kernel(
        out_type=jax.ShapeDtypeStruct((d, batch), tbl_t.dtype),
        mesh=mesh,
        compiler_params=cp,
        scratch_types=[
            pltpu.VMEM((vocab,), tbl_t.dtype),
            pltpu.VMEM((n,), jnp.int32),
            pltpu.VMEM((batch,), tbl_t.dtype),
            pltpu.SemaphoreType.DMA,
        ],
    )
    def gather_kernel(tbl_hbm, idx_hbm, out_hbm, row_v, idx_v, mean_v, sem):
        wid = jax.lax.axis_index("s") * _SC_CORES + jax.lax.axis_index("c")
        row_cp = pltpu.async_copy(tbl_hbm.at[wid], row_v, sem)
        pltpu.sync_copy(idx_hbm, idx_v)
        row_cp.wait()

        @pl.loop(0, batch, step=16)
        def _(b):
            acc = plsc.load_gather(row_v, [idx_v[pl.ds(b, 16)]])
            for j in range(1, ctx):
                acc = acc + plsc.load_gather(
                    row_v, [idx_v[pl.ds(j * batch + b, 16)]]
                )
            mean_v[pl.ds(b, 16)] = acc * (1.0 / ctx)

        pltpu.sync_copy(mean_v, out_hbm.at[wid])

    return gather_kernel(tbl_t, idx)


def _mm_t_body(m_ref, w_ref, o_ref):
    o_ref[...] = jax.lax.dot_general(
        w_ref[...],
        m_ref[...].astype(jnp.bfloat16),
        (((0,), (0,)), ((), ())),
        preferred_element_type=jnp.float32,
    )


def _project_t(mean_t, w_t, v_tile=2048, interpret=False):
    d, batch = mean_t.shape
    vocab = w_t.shape[1]
    grid = (pl.cdiv(vocab, v_tile),)
    return pl.pallas_call(
        _mm_t_body,
        grid=grid,
        in_specs=[
            pl.BlockSpec((d, batch), lambda i: (0, 0)),
            pl.BlockSpec((d, v_tile), lambda i: (0, i)),
        ],
        out_specs=pl.BlockSpec((v_tile, batch), lambda i: (i, 0)),
        out_shape=jax.ShapeDtypeStruct((vocab, batch), jnp.float32),
        compiler_params=pltpu.CompilerParams(dimension_semantics=("parallel",)),
        interpret=interpret,
    )(mean_t, w_t)


def kernel(contexts, emb_table, W_out):
    batch, ctx = contexts.shape
    idx = contexts.T.reshape(batch * ctx).astype(jnp.int32)
    mean_t = _sc_gather_pool_t(emb_table.T, idx, batch, ctx)
    w_t = W_out.astype(jnp.bfloat16).T
    return _project_t(mean_t, w_t).T

# --- scband reference (transcript-rebuilt; emitter-appended) ---
"""Pipeline reference for scband-word2-vec-7696581394456 (READ-ONLY COPY).

The authoritative reference and input builder live on the scoring server;
editing this copy changes nothing except your own understanding.
"""

import jax, jax.numpy as jnp
import numpy as np

VOCAB = 100000
D_MODEL = 32
BATCH = 1024
CTX = 10  # 2 * window_size


def setup_inputs(seed: int = 0) -> dict:
    key = jax.random.key(seed)
    k1, k2, k3 = jax.random.split(key, 3)
    contexts = jax.random.randint(k1, (BATCH, CTX), 0, VOCAB, dtype=jnp.int64 if jax.config.jax_enable_x64 else jnp.int32)
    # nn.Embedding weight: [vocab_size, d_model]
    emb_table = jax.random.normal(k2, (VOCAB, D_MODEL), dtype=jnp.float32) * 0.02
    # nn.Linear(d_model, vocab_size, bias=False) weight: [vocab_size, d_model]
    W_out = jax.random.normal(k3, (VOCAB, D_MODEL), dtype=jnp.float32) * 0.02
    return {"contexts": contexts, "emb_table": emb_table, "W_out": W_out}


def reference(contexts, emb_table, W_out):
    # CBOW forward path of Word2Vec:
    # embeds = self.embeddings(contexts)        -> [B, CTX, d_model]
    embeds = jnp.take(emb_table, contexts, axis=0)
    # mean_embeds = embeds.mean(dim=1)          -> [B, d_model]
    mean_embeds = jnp.mean(embeds, axis=1)
    # logits = self.weight(mean_embeds)         -> [B, vocab]
    logits = mean_embeds @ W_out.T
    return logits

if __name__ == "__main__":
    import jax
    _d = setup_inputs()
    print(jax.jit(kernel)(*tuple(_d.values())))

</pallas_src>

<mosaic_0001>
#map = affine_map<(d0, d1) -> (0, 0)>
#map1 = affine_map<(d0, d1) -> (0)>
module attributes {stable_mosaic.version = 14 : i64} {
  func.func @gather_kernel(%arg0: i32, %arg1: i32, %arg2: memref<32x100000xf32, #tpu.memory_space<hbm>>, %arg3: memref<10240xi32, #tpu.memory_space<hbm>>, %arg4: memref<32x1024xf32, #tpu.memory_space<hbm>>, %arg5: memref<100000xf32, #tpu.memory_space<vmem>>, %arg6: memref<10240xi32, #tpu.memory_space<vmem>>, %arg7: memref<1024xf32, #tpu.memory_space<vmem>>, %arg8: memref<!tpu.dma_semaphore, #tpu.memory_space<semaphore_mem>>) attributes {dimension_semantics = [#tpu.dimension_semantics<core_parallel>, #tpu.dimension_semantics<subcore_parallel>], iteration_bounds = array<i64: 2, 16>, scalar_prefetch = 0 : i64, scratch_operands = 4 : i64, tpu.core_type = #tpu.core_type<sc_vector_subcore>, window_params = [{transform_indices = #map}, {transform_indices = #map1}, {transform_indices = #map}]} {
    %mul3A = arith.constant 2 : i32
    %mul3A_0 = arith.muli %arg1, %mul3A : i32
    %add3A = arith.addi %mul3A_0, %arg0 : i32
    %dma_start3A = arith.constant 0 : i32
    %dma_start3A_1 = tpu.memref_slice %arg2[%add3A, %dma_start3A] : memref<32x100000xf32, #tpu.memory_space<hbm>> -> memref<1x100000xf32, #tpu.memory_space<hbm>>
    %dma_start3A_2 = tpu.memref_squeeze %dma_start3A_1 : memref<1x100000xf32, #tpu.memory_space<hbm>> -> memref<100000xf32, #tpu.memory_space<hbm>>
    %dma_start3A_3 = arith.constant 0 : i32
    %dma_start3A_4 = tpu.memref_slice %arg2[%add3A, %dma_start3A_3] : memref<32x100000xf32, #tpu.memory_space<hbm>> -> memref<1x100000xf32, #tpu.memory_space<hbm>>
    %dma_start3A_5 = tpu.memref_squeeze %dma_start3A_4 : memref<1x100000xf32, #tpu.memory_space<hbm>> -> memref<100000xf32, #tpu.memory_space<hbm>>
    tpu.enqueue_dma source(%dma_start3A_5 : memref<100000xf32, #tpu.memory_space<hbm>>) target(%arg5 : memref<100000xf32, #tpu.memory_space<vmem>>) target_semaphore(%arg8 : memref<!tpu.dma_semaphore, #tpu.memory_space<semaphore_mem>>)
    "tpu.region"() ({
      %run_scoped3A = tpu.sem_alloc : memref<!tpu.dma_semaphore, #tpu.memory_space<semaphore_mem>>
      tpu.enqueue_dma source(%arg3 : memref<10240xi32, #tpu.memory_space<hbm>>) target(%arg6 : memref<10240xi32, #tpu.memory_space<vmem>>) target_semaphore(%run_scoped3A : memref<!tpu.dma_semaphore, #tpu.memory_space<semaphore_mem>>)
      tpu.wait_dma2 semaphore(%run_scoped3A : memref<!tpu.dma_semaphore, #tpu.memory_space<semaphore_mem>>) src(%arg3 : memref<10240xi32, #tpu.memory_space<hbm>>) dst(%arg6 : memref<10240xi32, #tpu.memory_space<vmem>>)
      tpu.yield
    }) : () -> ()
    %dma_wait3A = arith.constant 0 : i32
    %dma_wait3A_6 = tpu.memref_slice %arg2[%add3A, %dma_wait3A] : memref<32x100000xf32, #tpu.memory_space<hbm>> -> memref<1x100000xf32, #tpu.memory_space<hbm>>
    %dma_wait3A_7 = tpu.memref_squeeze %dma_wait3A_6 : memref<1x100000xf32, #tpu.memory_space<hbm>> -> memref<100000xf32, #tpu.memory_space<hbm>>
    %dma_wait3A_8 = arith.constant 0 : i32
    %dma_wait3A_9 = tpu.memref_slice %arg2[%add3A, %dma_wait3A_8] : memref<32x100000xf32, #tpu.memory_space<hbm>> -> memref<1x100000xf32, #tpu.memory_space<hbm>>
    %dma_wait3A_10 = tpu.memref_squeeze %dma_wait3A_9 : memref<1x100000xf32, #tpu.memory_space<hbm>> -> memref<100000xf32, #tpu.memory_space<hbm>>
    tpu.wait_dma2 semaphore(%arg8 : memref<!tpu.dma_semaphore, #tpu.memory_space<semaphore_mem>>) src(%dma_wait3A_10 : memref<100000xf32, #tpu.memory_space<hbm>>) dst(%arg5 : memref<100000xf32, #tpu.memory_space<vmem>>)
    %scan3A = arith.constant 0 : i32
    %scan3A_11 = arith.constant 64 : i32
    %scan3A_12 = arith.addi %scan3A, %scan3A_11 : i32
    %scan3A_13 = arith.constant 1 : i32
    scf.for %scan3A_15 = %scan3A to %scan3A_12 step %scan3A_13  : i32 {
      %mul3A_16 = arith.constant 16 : i32
      %mul3A_17 = arith.muli %scan3A_15, %mul3A_16 : i32
      %add3A_18 = arith.constant 0 : i32
      %add3A_19 = arith.addi %add3A_18, %mul3A_17 : i32
      %get3A = arith.index_cast %add3A_19 : i32 to index
      %get3A_20 = tpu.vector_load %arg6[%get3A] {strides = array<i32>} : memref<10240xi32, #tpu.memory_space<vmem>>, vector<16xi32>,
      %gather3A = tpu.vector_load_idx %arg5[%get3A_20] : memref<100000xf32, #tpu.memory_space<vmem>>[vector<16xi32>], vector<16xf32>,
      %add3A_21 = arith.constant 1024 : i32
      %add3A_22 = arith.addi %add3A_21, %add3A_19 : i32
      %get3A_23 = arith.index_cast %add3A_22 : i32 to index
      %get3A_24 = tpu.vector_load %arg6[%get3A_23] {strides = array<i32>} : memref<10240xi32, #tpu.memory_space<vmem>>, vector<16xi32>,
      %gather3A_25 = tpu.vector_load_idx %arg5[%get3A_24] : memref<100000xf32, #tpu.memory_space<vmem>>[vector<16xi32>], vector<16xf32>,
      %add3A_26 = arith.addf %gather3A, %gather3A_25 : vector<16xf32>
      %add3A_27 = arith.constant 2048 : i32
      %add3A_28 = arith.addi %add3A_27, %add3A_19 : i32
      %get3A_29 = arith.index_cast %add3A_28 : i32 to index
      %get3A_30 = tpu.vector_load %arg6[%get3A_29] {strides = array<i32>} : memref<10240xi32, #tpu.memory_space<vmem>>, vector<16xi32>,
      %gather3A_31 = tpu.vector_load_idx %arg5[%get3A_30] : memref<100000xf32, #tpu.memory_space<vmem>>[vector<16xi32>], vector<16xf32>,
      %add3A_32 = arith.addf %add3A_26, %gather3A_31 : vector<16xf32>
      %add3A_33 = arith.constant 3072 : i32
      %add3A_34 = arith.addi %add3A_33, %add3A_19 : i32
      %get3A_35 = arith.index_cast %add3A_34 : i32 to index
      %get3A_36 = tpu.vector_load %arg6[%get3A_35] {strides = array<i32>} : memref<10240xi32, #tpu.memory_space<vmem>>, vector<16xi32>,
      %gather3A_37 = tpu.vector_load_idx %arg5[%get3A_36] : memref<100000xf32, #tpu.memory_space<vmem>>[vector<16xi32>], vector<16xf32>,
      %add3A_38 = arith.addf %add3A_32, %gather3A_37 : vector<16xf32>
      %add3A_39 = arith.constant 4096 : i32
      %add3A_40 = arith.addi %add3A_39, %add3A_19 : i32
      %get3A_41 = arith.index_cast %add3A_40 : i32 to index
      %get3A_42 = tpu.vector_load %arg6[%get3A_41] {strides = array<i32>} : memref<10240xi32, #tpu.memory_space<vmem>>, vector<16xi32>,
      %gather3A_43 = tpu.vector_load_idx %arg5[%get3A_42] : memref<100000xf32, #tpu.memory_space<vmem>>[vector<16xi32>], vector<16xf32>,
      %add3A_44 = arith.addf %add3A_38, %gather3A_43 : vector<16xf32>
      %add3A_45 = arith.constant 5120 : i32
      %add3A_46 = arith.addi %add3A_45, %add3A_19 : i32
      %get3A_47 = arith.index_cast %add3A_46 : i32 to index
      %get3A_48 = tpu.vector_load %arg6[%get3A_47] {strides = array<i32>} : memref<10240xi32, #tpu.memory_space<vmem>>, vector<16xi32>,
      %gather3A_49 = tpu.vector_load_idx %arg5[%get3A_48] : memref<100000xf32, #tpu.memory_space<vmem>>[vector<16xi32>], vector<16xf32>,
      %add3A_50 = arith.addf %add3A_44, %gather3A_49 : vector<16xf32>
      %add3A_51 = arith.constant 6144 : i32
      %add3A_52 = arith.addi %add3A_51, %add3A_19 : i32
      %get3A_53 = arith.index_cast %add3A_52 : i32 to index
      %get3A_54 = tpu.vector_load %arg6[%get3A_53] {strides = array<i32>} : memref<10240xi32, #tpu.memory_space<vmem>>, vector<16xi32>,
      %gather3A_55 = tpu.vector_load_idx %arg5[%get3A_54] : memref<100000xf32, #tpu.memory_space<vmem>>[vector<16xi32>], vector<16xf32>,
      %add3A_56 = arith.addf %add3A_50, %gather3A_55 : vector<16xf32>
      %add3A_57 = arith.constant 7168 : i32
      %add3A_58 = arith.addi %add3A_57, %add3A_19 : i32
      %get3A_59 = arith.index_cast %add3A_58 : i32 to index
      %get3A_60 = tpu.vector_load %arg6[%get3A_59] {strides = array<i32>} : memref<10240xi32, #tpu.memory_space<vmem>>, vector<16xi32>,
      %gather3A_61 = tpu.vector_load_idx %arg5[%get3A_60] : memref<100000xf32, #tpu.memory_space<vmem>>[vector<16xi32>], vector<16xf32>,
      %add3A_62 = arith.addf %add3A_56, %gather3A_61 : vector<16xf32>
      %add3A_63 = arith.constant 8192 : i32
      %add3A_64 = arith.addi %add3A_63, %add3A_19 : i32
      %get3A_65 = arith.index_cast %add3A_64 : i32 to index
      %get3A_66 = tpu.vector_load %arg6[%get3A_65] {strides = array<i32>} : memref<10240xi32, #tpu.memory_space<vmem>>, vector<16xi32>,
      %gather3A_67 = tpu.vector_load_idx %arg5[%get3A_66] : memref<100000xf32, #tpu.memory_space<vmem>>[vector<16xi32>], vector<16xf32>,
      %add3A_68 = arith.addf %add3A_62, %gather3A_67 : vector<16xf32>
      %add3A_69 = arith.constant 9216 : i32
      %add3A_70 = arith.addi %add3A_69, %add3A_19 : i32
      %get3A_71 = arith.index_cast %add3A_70 : i32 to index
      %get3A_72 = tpu.vector_load %arg6[%get3A_71] {strides = array<i32>} : memref<10240xi32, #tpu.memory_space<vmem>>, vector<16xi32>,
      %gather3A_73 = tpu.vector_load_idx %arg5[%get3A_72] : memref<100000xf32, #tpu.memory_space<vmem>>[vector<16xi32>], vector<16xf32>,
      %add3A_74 = arith.addf %add3A_68, %gather3A_73 : vector<16xf32>
      %mul3A_75 = arith.constant 1.000000e-01 : f32
      %mul3A_76 = vector.broadcast %mul3A_75 : f32 to vector<16xf32>
      %mul3A_77 = arith.mulf %add3A_74, %mul3A_76 : vector<16xf32>
      %swap3A = arith.index_cast %add3A_19 : i32 to index
      %swap3A_78 = tpu.vector_load %arg7[%swap3A] {strides = array<i32>} : memref<1024xf32, #tpu.memory_space<vmem>>, vector<16xf32>,
      tpu.vector_store %arg7[%swap3A], %mul3A_77 {strides = array<i32>} : memref<1024xf32, #tpu.memory_space<vmem>>, vector<16xf32>,
    }
    %scan3A_14 = arith.constant 64 : i32
    "tpu.region"() ({
      %run_scoped3A = tpu.sem_alloc : memref<!tpu.dma_semaphore, #tpu.memory_space<semaphore_mem>>
      %dma_start3A_15 = arith.constant 0 : i32
      %dma_start3A_16 = tpu.memref_slice %arg4[%add3A, %dma_start3A_15] : memref<32x1024xf32, #tpu.memory_space<hbm>> -> memref<1x1024xf32, #tpu.memory_space<hbm>>
      %dma_start3A_17 = tpu.memref_squeeze %dma_start3A_16 : memref<1x1024xf32, #tpu.memory_space<hbm>> -> memref<1024xf32, #tpu.memory_space<hbm>>
      %dma_start3A_18 = arith.constant 0 : i32
      %dma_start3A_19 = tpu.memref_slice %arg4[%add3A, %dma_start3A_18] : memref<32x1024xf32, #tpu.memory_space<hbm>> -> memref<1x1024xf32, #tpu.memory_space<hbm>>
      %dma_start3A_20 = tpu.memref_squeeze %dma_start3A_19 : memref<1x1024xf32, #tpu.memory_space<hbm>> -> memref<1024xf32, #tpu.memory_space<hbm>>
      tpu.enqueue_dma source(%arg7 : memref<1024xf32, #tpu.memory_space<vmem>>) target(%dma_start3A_20 : memref<1024xf32, #tpu.memory_space<hbm>>) target_semaphore(%run_scoped3A : memref<!tpu.dma_semaphore, #tpu.memory_space<semaphore_mem>>)
      %dma_wait3A_21 = arith.constant 0 : i32
      %dma_wait3A_22 = tpu.memref_slice %arg4[%add3A, %dma_wait3A_21] : memref<32x1024xf32, #tpu.memory_space<hbm>> -> memref<1x1024xf32, #tpu.memory_space<hbm>>
      %dma_wait3A_23 = tpu.memref_squeeze %dma_wait3A_22 : memref<1x1024xf32, #tpu.memory_space<hbm>> -> memref<1024xf32, #tpu.memory_space<hbm>>
      %dma_wait3A_24 = arith.constant 0 : i32
      %dma_wait3A_25 = tpu.memref_slice %arg4[%add3A, %dma_wait3A_24] : memref<32x1024xf32, #tpu.memory_space<hbm>> -> memref<1x1024xf32, #tpu.memory_space<hbm>>
      %dma_wait3A_26 = tpu.memref_squeeze %dma_wait3A_25 : memref<1x1024xf32, #tpu.memory_space<hbm>> -> memref<1024xf32, #tpu.memory_space<hbm>>
      tpu.wait_dma2 semaphore(%run_scoped3A : memref<!tpu.dma_semaphore, #tpu.memory_space<semaphore_mem>>) src(%arg7 : memref<1024xf32, #tpu.memory_space<vmem>>) dst(%dma_wait3A_26 : memref<1024xf32, #tpu.memory_space<hbm>>)
      tpu.yield
    }) : () -> ()
    return
  }
}

module attributes {stable_mosaic.version = 14 : i64} {
  func.func @_mm_t_body(%arg0: i32, %arg1: memref<32x1024xf32, #tpu.memory_space<vmem>>, %arg2: memref<32x2048xbf16, #tpu.memory_space<vmem>>, %arg3: memref<2048x1024xf32, #tpu.memory_space<vmem>>) attributes {dimension_semantics = [#tpu.dimension_semantics<parallel>], iteration_bounds = array<i64: 49>, scalar_prefetch = 0 : i64, scratch_operands = 0 : i64, tpu.core_type = #tpu.core_type<tc>, window_params = [{pipeline_mode = #tpu.pipeline_mode<synchronous>, transform_indices = @transform_0, window_bounds = array<i64: 32, 1024>}, {transform_indices = @transform_1, window_bounds = array<i64: 32, 2048>}, {transform_indices = @transform_2, window_bounds = array<i64: 2048, 1024>}]} {
    %get3A = arith.constant 0 : index
    %get3A_0 = arith.constant 0 : index
    %get3A_1 = vector.load %arg2[%get3A, %get3A_0] : memref<32x2048xbf16, #tpu.memory_space<vmem>>, vector<32x2048xbf16>
    %get3A_2 = arith.constant 0 : index
    %get3A_3 = arith.constant 0 : index
    %get3A_4 = vector.load %arg1[%get3A_2, %get3A_3] : memref<32x1024xf32, #tpu.memory_space<vmem>>, vector<32x1024xf32>
    %convert_element_type3A = arith.truncf %get3A_4 : vector<32x1024xf32> to vector<32x1024xbf16>
    %dot_general3A = arith.constant dense<0.000000e+00> : vector<2048x1024xf32>
    %dot_general3A_5 = tpu.matmul %get3A_1, %convert_element_type3A, %dot_general3A {dimension_numbers = #tpu.dot_dimension_numbers<[0], [0], [1], [1], [0, 1, 1, 1], [], []>, transpose_lhs_hint = false} : vector<32x2048xbf16>, vector<32x1024xbf16>, vector<2048x1024xf32> -> vector<2048x1024xf32>
    %swap3A = arith.constant 0 : index
    %swap3A_6 = arith.constant 0 : index
    %swap3A_7 = vector.load %arg3[%swap3A, %swap3A_6] : memref<2048x1024xf32, #tpu.memory_space<vmem>>, vector<2048x1024xf32>
    tpu.vector_store %arg3[%swap3A, %swap3A_6], %dot_general3A_5 {strides = array<i32>} : memref<2048x1024xf32, #tpu.memory_space<vmem>>, vector<2048x1024xf32>,
    return
  }
  func.func @transform_0(%arg0: i32) -> (i32, i32) {
    %c0_i32 = arith.constant 0 : i32
    %c0_i32_0 = arith.constant 0 : i32
    %c0_i32_1 = arith.constant 0 : i32
    return %c0_i32, %c0_i32_0 : i32, i32
  }
  func.func @transform_1(%arg0: i32) -> (i32, i32) {
    %c0_i32 = arith.constant 0 : i32
    %c0_i32_0 = arith.constant 0 : i32
    return %c0_i32, %arg0 : i32, i32
  }
  func.func @transform_2(%arg0: i32) -> (i32, i32) {
    %c0_i32 = arith.constant 0 : i32
    %c0_i32_0 = arith.constant 0 : i32
    return %arg0, %c0_i32 : i32, i32
  }
}

</mosaic_0001>

<sc_bundles>
// kernel: kernel.4.cloned.1.call-start
scs
__scs_entry_jumppad:
0x0: {  	(pc) =	sbr.rel $0x88, $3  }
0x1: {  	(tag) =	ssettag $0x0;
	lr =	simm.s32 $0x1  }
0x2: {  	[smem:$0x3F9E] =	sst lr;
	_ =	strace $0xD0000000  }
0x3: {  	_ = 	snop  }
0x4: {  	_ = 	snop  }
0x5: {  	_ = 	snop  }
0x6: {  	_ = 	snop  }
0x7: {  	_ = 	snop  }
__scs_overlays_trampoline_lowered:
0x8: {  	[smem:$0x3FAD] =	sst s0  }
0x9: {  	[smem:$0x3FAE] =	sst s1  }
0xa: {  	[smem:$0x3FAF] =	sst s2  }
0xb: {  	[smem:$0x3FB0] =	sst s3  }
0xc: {  	[smem:$0x3FB1] =	sst s4  }
0xd: {  	[smem:$0x3FB2] =	sst s5  }
0xe: {  	[smem:$0x3FB3] =	sst s6  }
0xf: {  	[smem:$0x3FB4] =	sst s7  }
0x10: {  	[smem:$0x3FB5] =	sst s8  }
0x11: {  	[smem:$0x3FB6] =	sst s9;
	s0 =	simm.s32 @!p0 $0x0  }
0x12: {  	s1 =	sld [smem:$0x3F9C];
	s0 =	simm.s32 @p0 $0x1  }
0x13: {  	[smem:$0x3FB7] =	sst s0;
	s0 =	simm.s32 @!p1 $0x0  }
0x14: {  	s2 =	sld [smem:$0x3F9B];
	s0 =	simm.s32 @p1 $0x1  }
0x15: {  	[smem:$0x3FB8] =	sst s0;
	s0 =	simm.s32 @!p2 $0x0  }
0x16: {  	s3 =	sld [smem:$0x3FDB];
	s0 =	simm.s32 @p2 $0x1  }
0x17: {  	s4 =	simm.s32 $0x1BF5;
	[smem:$0x3FBA] =	sst s0  }
0x18: {  	s0 =	sld [smem:$0x3F9D];
	_ =	swait.ge [sflag:s4], $0x0  }
0x19: {  	s7 =	sld [smem:$0x3F9E]  }
0x1a: {  	s8 =	sadd.s32 $0xFFFFE003, lr  }
0x1b: {  	s9 =	sadd.s32 $0xFFFFFEF7, lr;
	s5 =	simm.s32 $0xFFFFFFFF;
	p2 =	slt.u32 s8, $0xFFFFF086  }
0x1c: {  	p1 =	slt.u32 s9, $0xF7A;
	s5 =	simm.s32 @!p2 $0x0  }
0x1d: {  	s5 =	simm.s32 @p1 $0x1;
	p0 =	seq.s32 s7, s2  }
0x1e: {  	s7 =	smul.u32 @!p0 $0xF7A, s2;
	p2 =	seq.s32 @!p0 s5, $0x0  }
0x1f: {  	s9 =	smul.u32 $0xF7A, s1;
	s8 =	simm.s32 @!p0 $0x1BF5;
	p2 =	por !p2, p0  }
0x20: {  	[sflag:s8] =	ssyncset.s32 @!p0 $0xFFFFF086;
	s6 =	sadd.s32 @!p0 s3, s7;
	s7 =	simm.s32 @!p0 $0x108  }
0x21: {  	s3 =	sadd.s32 s3, s9;
	s6 =	sadd.s32 @!p0 $0x88, s6;
	s7 =	simm.s32 @p2 $0x1082  }
0x22: {  	[simem:s7], [sflag:s8] =	dma.local @!p0 [hbm:s6], $0xF7A  }
0x23: {  	s9 =	sor.u32 $0xD0000000, s2;
	s6 =	simm.s32 $0x108;
	_ =	swait.ge @!p0 [sflag:s8], $0x0  }
0x24: {  	s3 =	sadd.s32 $0x88, s3;
	s6 =	simm.s32 @!p1 $0x1082;
	[sflag:s4] =	ssyncset.s32 $0xFFFFF086  }
0x25: {  	[simem:s6], [sflag:s4] =	dma.local [hbm:s3], $0xF7A  }
0x26: {  	[smem:$0x3F9E] =	sst s1;
	(tag) =	ssettag s2;
	_ =	strace s9  }
0x27: {  	s1 =	sld [smem:$0x3FAE]  }
0x28: {  	s2 =	sld [smem:$0x3FAF]  }
0x29: {  	s4 =	sld [smem:$0x3FB1]  }
0x2a: {  	p0 =	seq.s32 s5, $0x0;
	s5 =	sld [smem:$0x3FB2]  }
0x2b: {  	s6 =	sld [smem:$0x3FB3]  }
0x2c: {  	s7 =	sld [smem:$0x3FB4]  }
0x2d: {  	s3 =	simm.s32 $0x108;
	s8 =	sld [smem:$0x3FB5]  }
0x2e: {  	s3 =	simm.s32 @!p0 $0x1082;
	s9 =	sld [smem:$0x3FB6]  }
0x2f: {  	lr =	sadd.s32 s0, s3;
	s0 =	sld [smem:$0x3FAD]  }
0x30: {  	s3 =	sld [smem:$0x3FB0]  }
0x31: {  	[smem:$0x3FB9] =	sst s10  }
0x32: {  	s10 =	sld [smem:$0x3FB7];
	_ =	sdelay $0x3  }
0x33: {  	p0 =	seq.s32 s10, $0x1;
	s10 =	sld [smem:$0x3FB9];
	_ =	sdelay $0x3  }
0x34: {  	[smem:$0x3FB9] =	sst s10  }
0x35: {  	s10 =	sld [smem:$0x3FB8];
	_ =	sdelay $0x3  }
0x36: {  	p1 =	seq.s32 s10, $0x1;
	s10 =	sld [smem:$0x3FB9];
	_ =	sdelay $0x3  }
0x37: {  	[smem:$0x3FB9] =	sst s10  }
0x38: {  	s10 =	sld [smem:$0x3FBA]  }
0x39: {  	_ = 	snop;
	(pc) =	sbr.ind lr, $3  }
0x3a: {  	_ = 	snop  }
0x3b: {  	_ = 	snop  }
0x3c: {  	p2 =	seq.s32 s10, $0x1;
	s10 =	sld [smem:$0x3FB9]  }
0x3d: {  	_ =	shalt  }
0x3e: {  	_ =	shalt  }
0x3f: {  	_ =	shalt  }
0x40: {  	_ =	shalt  }
0x41: {  	_ =	shalt  }
0x42: {  	_ =	shalt  }
0x43: {  	_ =	shalt  }
0x44: {  	_ =	shalt  }
0x45: {  	_ =	shalt  }
0x46: {  	_ =	shalt  }
0x47: {  	_ =	shalt  }
0x48: {  	_ =	shalt  }
0x49: {  	_ =	shalt  }
0x4a: {  	_ =	shalt  }
0x4b: {  	_ =	shalt  }
0x4c: {  	_ =	shalt  }
0x4d: {  	_ =	shalt  }
0x4e: {  	_ =	shalt  }
0x4f: {  	_ =	shalt  }
0x50: {  	_ =	shalt  }
0x51: {  	_ =	shalt  }
0x52: {  	_ =	shalt  }
0x53: {  	_ =	shalt  }
0x54: {  	_ =	shalt  }
0x55: {  	_ =	shalt  }
0x56: {  	_ =	shalt  }
0x57: {  	_ =	shalt  }
0x58: {  	_ =	shalt  }
0x59: {  	_ =	shalt  }
0x5a: {  	_ =	shalt  }
0x5b: {  	_ =	shalt  }
0x5c: {  	_ =	shalt  }
0x5d: {  	_ =	shalt  }
0x5e: {  	_ =	shalt  }
0x5f: {  	_ =	shalt  }
0x60: {  	_ =	shalt  }
0x61: {  	_ =	shalt  }
0x62: {  	_ =	shalt  }
0x63: {  	_ =	shalt  }
0x64: {  	_ =	shalt  }
0x65: {  	_ =	shalt  }
0x66: {  	_ =	shalt  }
0x67: {  	_ =	shalt  }
0x68: {  	_ =	shalt  }
0x69: {  	_ =	shalt  }
0x6a: {  	_ =	shalt  }
0x6b: {  	_ =	shalt  }
0x6c: {  	_ =	shalt  }
0x6d: {  	_ =	shalt  }
0x6e: {  	_ =	shalt  }
0x6f: {  	_ =	shalt  }
0x70: {  	_ =	shalt  }
0x71: {  	_ =	shalt  }
0x72: {  	_ =	shalt  }
0x73: {  	_ =	shalt  }
0x74: {  	_ =	shalt  }
0x75: {  	_ =	shalt  }
0x76: {  	_ =	shalt  }
0x77: {  	_ =	shalt  }
0x78: {  	_ =	shalt  }
0x79: {  	_ =	shalt  }
0x7a: {  	_ =	shalt  }
0x7b: {  	_ =	shalt  }
0x7c: {  	_ =	shalt  }
0x7d: {  	_ =	shalt  }
0x7e: {  	_ =	shalt  }
0x7f: {  	_ =	shalt  }
0x80: {  	_ =	shalt  }
0x81: {  	_ =	shalt  }
0x82: {  	_ =	shalt  }
0x83: {  	_ =	shalt  }
0x84: {  	_ =	shalt  }
0x85: {  	_ =	shalt  }
0x86: {  	_ =	shalt  }
0x87: {  	_ =	shalt  }
.Lfunc_end0:
.L_simem_size_0:
called_computation_lowered:
.L_overlay_start_0:
0x88: {  	s2 =	sld [smem:$0x3FD9]  }
0x89: {  	s3 =	sld [smem:$0x3FFE];
	_ =	sdelay $0x1  }
0x8a: {  	s1 =	srdreg.scid  }
0x8b: {  	s0 =	sand.u32 $0x1, s1  }
0x8c: {  	s17 =	sshll.u32 s0, $0xA;
	s2 =	sadd.s32 s3, s2  }
0x8d: {  	s2 =	sadd.s32 s2, s17  }
0x8e: {  	[smem:$0x3FC5] =	sst s2  }
0x8f: {  	_ = 	snop  }
0x90: {  	s2 =	sld [smem:$0x3FC8]  }
0x91: {  	s18 =	sld [smem:$0x3FD0];
	(tm) =	ssettm $0x1  }
0x92: {  	s4 =	sld [smem:$0x3FFB];
	_ =	sdelay $0x3  }
0x93: {  	_ =	strace s4  }
0x94: {  	s4 =	sld [smem:$0x3FFC];
	_ =	sdelay $0x3  }
0x95: {  	_ =	strace s4  }
0x96: {  	s4 =	sld [smem:$0x3FFD];
	_ =	sdelay $0x3  }
0x97: {  	_ =	strace s4  }
0x98: {  	_ =	strace $0x8FFFFFFF  }
0x99: {  	s19 =	sld [smem:$0x3FDB];
	_ =	sdelay $0x1  }
0x9a: {  	s5 =	simm.s32 $_scs_section_size  }
0x9b: {  	s6 =	simm.s32 $_size__tile_overlayer_lowered;
	s7 =	simm.s32 $_tile_overlayer_lowered  }
0x9c: {  	s22 =	simm.s32 $0x1BFF;
	s21 =	sshll.u32 s7, $0x1;
	s4 =	sadd.s32 s5, s19  }
0x9d: {  	s8 =	simm.s32 $0x0;
	s20 =	sshll.u32 s6, $0x1;
	s6 =	sadd.s32 s21, s4  }
0x9e: {  	[timem:s8], [sflag:s22] =	dma.local [hbm:s6], s20  }
0x9f: {  	_ =	swait.ge [sflag:s22], s20  }
0xa0: {  	s5 =	ssub.s32 $0x0, s20;
	[sflag:s22] =	ssyncset.done $0x0  }
0xa1: {  	[sflag:s22] =	ssyncadd.s32 s5;
	_ =	sdelay $0x1  }
0xa2: {  	s23 =	simm.s32 $0x1B8B  }
0xa3: {  	_ =	swait.ge [sflag:s23], $0x1  }
0xa4: {  	[sflag:s23] =	ssyncset.done $0x0  }
0xa5: {  	s25 =	simm.s32 $0x1B8E;
	s24 =	sld [smem:$0x3FFE];
	[sflag:s23] =	ssyncadd.s32 $0xFFFFFFFF  }
0xa6: {  	s26 =	simm.s32 $execute0_lowered;
	[smem:$0x3FD2] =	sst s25  }
0xa7: {  	s6 =	sshll.u32 s26, $0x1;
	_ =	strace $0x80000046;
	[dreg:$0x1] =	wrdreg $0xFFFFFFFF  }
0xa8: {  	s28 =	simm.s32 $_size_execute0_lowered;
	s4 =	sadd.s32 s4, s6;
	[dreg:$0x0] =	wrdreg $0x0  }
0xa9: {  	s6 =	sshll.u32 s28, $0x1;
	[dreg:$0x2] =	wrdreg s4  }
0xaa: {  	[dreg:$0x3] =	wrdreg s6  }
0xab: {  	[dreg:$0x4] =	wrdreg $0xC0  }
0xac: {  	_ =	task [dreg:s8], $0x5FFFF  }
0xad: {  	[dreg:$0x1] =	wrdreg $0xFFFFFFFF  }
0xae: {  	[dreg:$0x0] =	wrdreg $0x60  }
0xaf: {  	[dreg:$0x2] =	wrdreg s2  }
0xb0: {  	[dreg:$0x3] =	wrdreg s24  }
0xb1: {  	[dreg:$0x4] =	wrdreg s18  }
0xb2: {  	[dreg:$0x5] =	wrdreg $0x9  }
0xb3: {  	_ =	task.clear_ibuf [dreg:s8], $0x6FFFF;
	_ =	strace $0x90000046  }
0xb4: {  	s29 =	simm.s32 $0x9;
	_ =	strace $0x80000048  }
0xb5: {  	_ =	swait.ge [sflag:s29], $0x1  }
0xb6: {  	[sflag:s29] =	ssyncadd.s32 $0xFFFFFFFF  }
0xb7: {  	_ =	strace $0x90000048  }
0xb8: {  	_ =	sfence  }
0xb9: {  	s30 =	sld [smem:$0x0];
	_ =	sdelay $0x2  }
0xba: {  	s31 =	sshll.u32 s1, $0xD;
	s1 =	sshrl.u32 s1, $0x2  }
0xbb: {  	s3 =	sand.u32 $0x4000, s31;
	s1 =	sadd.s32 s1, s30  }
0xbc: {  	s0 =	sor.u32 s3, s0;
	s1 =	sshll.u32 s1, $0x11  }
0xbd: {  	s0 =	sor.u32 s1, s0  }
0xbe: {  	s0 =	sadd.s32 $0x8F2B, s0  }
0xbf: {  	[sflag:s0] =	ssyncadd.remote.s32 $0x1  }
0xc0: {  	_ =	sfence.sel $0xFFFF  }
0xc1: {  	[dreg:$0x0] =	wrdreg $0xFFFFFFFF;
	(pc) =	sbr.abs _section_cstart, $3  }
0xc2: {  	[dreg:$0x1] =	wrdreg $0xFFFFFFFF  }
0xc3: {  	_ =	task.clear_ibuf [dreg:s8], $0x2FFFF;
	_ =	strace $0x9FFFFFFF  }
0xc4: {  	(tm) =	ssettm $0x7FFFFFFF  }
0xc5: {  	_ =	shalt  }
tec
execute0_lowered:
.L_overlay_start_1:
0x0: {  	(tag) =	ssettag $0x1  }
0x1: {  	s4 =	rddreg [dreg:$0x0]  }
0x2: {  	s2 =	rddreg [dreg:$0x1]  }
0x3: {  	s5 =	rddreg [dreg:$0x2]  }
0x4: {  	s0 =	rddreg [dreg:$0x3]  }
0x5: {  	s1 =	simm.s32 $0x0;
	s6 =	srdreg.scid;
	s11 =	simm.s32 $0x1AF00  }
0x6: {  	s12 =	simm.s32 $0x0;
	[smem:$0x7FF] =	sst s1;
	s3 =	sadd.s32 $0x800, s2  }
0x7: {  	s2 =	stileid.u32;
	s6 =	sand.u32 $0x1, s6;
	_ =	strace $0x80000047  }
0x8: {  	s7 =	sshrl.u32 s2, $0x2;
	s8 =	sshll.u32 s2, $0x8;
	s9 =	sshll.u32 s6, $0x7  }
0x9: {  	s6 =	ssub.s32 $0x2, s6;
	s8 =	sand.u32 $0x300, s8;
	s10 =	smul.u32 $0xC3800, s7  }
0xa: {  	s7 =	sshll.u32 s7, $0xD;
	s30 =	sshrl.u32 s6, $0x1;
	s8 =	sor.u32 s9, s8  }
0xb: {  	s6 =	ssub.s32 s6, s30;
	s9 =	simm.s32 $0x2;
	s10 =	sor.u32 s10, s8  }
0xc: {  	s7 =	sor.u32 s7, s8;
	s6 =	smax.u32 s6, $0x1;
	s8 =	simm.s32 $0x400  }
0xd: {  	s31 =	sshrl.u32 s10, $0x3;
	s7 =	sshrl.u32 s7, $0x3;
	s10 =	simm.s32 $0x1  }
0xe: {  	s4 =	sadd.s32 s4, s31;
	s5 =	sadd.s32 s5, s7;
	s7 =	simm.s32 $0x80  }
.LBB2_1:
0xf: {  	[tilespmem:s1], [sflag:$0x1] =	stream.strided.gather [hbm4b:s4+s7], $0x18700, s8, s7, $0x38;
	[tilespmem:$0x1B300] =	vst v63  }
0x10: {  	s13 =	simm.s32 $0x18700  }
0x11: {  	[tilespmem:s13], [sflag:$0x2] =	stream.linear.gather [hbm4b:s3+s1], $0x2800, $0x38;
	[tilespmem:$0x1B300] =	vst v63  }
0x12: {  	_ =	swait.ge [sflag:s9], $0x2800  }
0x13: {  	[sflag:s9] =	ssyncset.done $0x0  }
0x14: {  	[sflag:s9] =	ssyncadd.s32 $0xFFFFD800  }
0x15: {  	_ =	swait.ge [sflag:s10], $0x18700  }
0x16: {  	[sflag:s10] =	ssyncset.done $0x0  }
0x17: {  	[sflag:s10] =	ssyncadd.s32 $0xFFFE7900  }
0x18: {  	s30 =	sand.u32 $0x3F0, s1;
	v0 =	vld [tilespmem:s13+$0x0]  }
0x19: {  	v1 =	vld [tilespmem:s30+$0x18B00];
	_ =	sdelay $0x1  }
0x1a: {  	v2 =	vld [tilespmem:s30+$0x18F00];
	_ =	sdelay $0x1  }
0x1b: {  	v3 =	vld [tilespmem:s30+$0x19300]  }
0x1c: {  	v4 =	vld [tilespmem:s30+$0x19B00]  }
0x1d: {  	v5 =	vld [tilespmem:s30+$0x19700]  }
0x1e: {  	v0 =	vld.idx.msk [tilespmem:v0+s1+$0x0], $0xffff  }
0x1f: {  	v1 =	vld.idx.msk [tilespmem:v1+s1+$0x0], $0xffff  }
0x20: {  	v6 =	vld [tilespmem:s30+$0x19F00]  }
0x21: {  	v2 =	vld.idx.msk [tilespmem:v2+s1+$0x0], $0xffff  }
0x22: {  	v7 =	vld [tilespmem:s30+$0x1A300]  }
0x23: {  	v3 =	vld.idx.msk [tilespmem:v3+s1+$0x0], $0xffff  }
0x24: {  	v8 =	vld [tilespmem:s30+$0x1A700];
	v0 =	vadd.f32 v1, v0  }
0x25: {  	v1 =	vld.idx.msk [tilespmem:v5+s1+$0x0], $0xffff  }
0x26: {  	v63 =	vld [tilespmem:s30+$0x1AB00];
	v0 =	vadd.f32 v2, v0  }
0x27: {  	v2 =	vld.idx.msk [tilespmem:v4+s1+$0x0], $0xffff  }
0x28: {  	v0 =	vadd.f32 v3, v0  }
0x29: {  	v3 =	vld.idx.msk [tilespmem:v6+s1+$0x0], $0xffff  }
0x2a: {  	v0 =	vadd.f32 v1, v0  }
0x2b: {  	v1 =	vld.idx.msk [tilespmem:v7+s1+$0x0], $0xffff  }
0x2c: {  	v0 =	vadd.f32 v2, v0  }
0x2d: {  	v2 =	vld.idx.msk [tilespmem:v8+s1+$0x0], $0xffff  }
0x2e: {  	v0 =	vadd.f32 v3, v0  }
0x2f: {  	v3 =	vld.idx.msk [tilespmem:v63+s1+$0x0], $0xffff  }
0x30: {  	v0 =	vadd.f32 v1, v0;
	_ =	sdelay $0x1  }
0x31: {  	v0 =	vadd.f32 v2, v0;
	_ =	sdelay $0x1  }
0x32: {  	v0 =	vadd.f32 v3, v0;
	_ =	sdelay $0x1  }
0x33: {  	v0 =	vmul.f32 $1.000000010e-01, v0;
	_ =	sdelay $0x1  }
0x34: {  	s31 =	simm.s32 $0x10;
	s14 =	simm.s32 $0x18710;
	[tilespmem:s11+$0x0] =	vst v0  }
0x35: {  	s15 =	simm.s32 $0x20;
	s16 =	sand.u32 $0x3F0, s31;
	s13 =	simm.s32 $0x1AF00;
	v0 =	vld [tilespmem:s14+$0x0]  }
.LBB2_2:
0x36: {  	p0 =	sne.s32 s15, $0x3F0;
	v1 =	vld [tilespmem:s16+$0x18B00];
	_ =	sdelay $0x1  }
0x37: {  	v2 =	vld [tilespmem:s16+$0x18F00];
	_ =	sdelay $0x1  }
0x38: {  	v3 =	vld [tilespmem:s16+$0x19300]  }
0x39: {  	v4 =	vld [tilespmem:s16+$0x19B00]  }
0x3a: {  	v5 =	vld [tilespmem:s16+$0x19700]  }
0x3b: {  	v0 =	vld.idx.msk [tilespmem:v0+s1+$0x0], $0xffff  }
0x3c: {  	v1 =	vld.idx.msk [tilespmem:v1+s1+$0x0], $0xffff  }
0x3d: {  	v6 =	vld [tilespmem:s16+$0x19F00]  }
0x3e: {  	v2 =	vld.idx.msk [tilespmem:v2+s1+$0x0], $0xffff  }
0x3f: {  	v7 =	vld [tilespmem:s16+$0x1A300]  }
0x40: {  	v3 =	vld.idx.msk [tilespmem:v3+s1+$0x0], $0xffff  }
0x41: {  	v8 =	vld [tilespmem:s16+$0x1A700]  }
0x42: {  	v0 =	vadd.f32 v1, v0;
	v1 =	vld.idx.msk [tilespmem:v5+s1+$0x0], $0xffff  }
0x43: {  	v5 =	vld [tilespmem:s16+$0x1AB00]  }
0x44: {  	v0 =	vadd.f32 v2, v0;
	v2 =	vld.idx.msk [tilespmem:v4+s1+$0x0], $0xffff;
	_ =	sdelay $0x1  }
0x45: {  	v0 =	vadd.f32 v3, v0;
	v3 =	vld.idx.msk [tilespmem:v6+s1+$0x0], $0xffff;
	_ =	sdelay $0x1  }
0x46: {  	v0 =	vadd.f32 v1, v0;
	v1 =	vld.idx.msk [tilespmem:v7+s1+$0x0], $0xffff;
	_ =	sdelay $0x1  }
0x47: {  	v0 =	vadd.f32 v2, v0;
	v2 =	vld.idx.msk [tilespmem:v8+s1+$0x0], $0xffff;
	_ =	sdelay $0x1  }
0x48: {  	v0 =	vadd.f32 v3, v0;
	v3 =	vld.idx.msk [tilespmem:v5+s1+$0x0], $0xffff;
	_ =	sdelay $0x1  }
0x49: {  	v0 =	vadd.f32 v1, v0;
	_ =	sdelay $0x1  }
0x4a: {  	v0 =	vadd.f32 v2, v0;
	_ =	sdelay $0x1  }
0x4b: {  	v0 =	vadd.f32 v3, v0  }
.Ltmp0:
0x4c: {  	(pc) =	sbr.rel @p0 .LBB2_2-.Ltmp0, $4  }
0x4d: {  	v0 =	vmul.f32 $1.000000010e-01, v0  }
0x4e: {  	s13 =	sadd.s32 $0x10, s13  }
0x4f: {  	s14 =	sadd.s32 $0x10, s14;
	[tilespmem:s13+$0x0] =	vst v0  }
0x50: {  	s16 =	sand.u32 $0x3F0, s15;
	s15 =	sadd.s32 $0x10, s15;
	v0 =	vld [tilespmem:s14+$0x0]  }
0x51: {  	_ = 	snop  }
0x52: {  	v1 =	vld [tilespmem:s16+$0x18B00];
	_ =	sdelay $0x1  }
0x53: {  	v2 =	vld [tilespmem:s16+$0x18F00];
	_ =	sdelay $0x1  }
0x54: {  	v3 =	vld [tilespmem:s16+$0x19300]  }
0x55: {  	v4 =	vld [tilespmem:s16+$0x19B00]  }
0x56: {  	v5 =	vld [tilespmem:s16+$0x19700]  }
0x57: {  	v0 =	vld.idx.msk [tilespmem:v0+s1+$0x0], $0xffff  }
0x58: {  	v1 =	vld.idx.msk [tilespmem:v1+s1+$0x0], $0xffff  }
0x59: {  	v6 =	vld [tilespmem:s16+$0x19F00]  }
0x5a: {  	v2 =	vld.idx.msk [tilespmem:v2+s1+$0x0], $0xffff  }
0x5b: {  	v7 =	vld [tilespmem:s16+$0x1A300]  }
0x5c: {  	v3 =	vld.idx.msk [tilespmem:v3+s1+$0x0], $0xffff  }
0x5d: {  	v8 =	vld [tilespmem:s16+$0x1A700];
	v0 =	vadd.f32 v1, v0  }
0x5e: {  	v57 =	vld.idx.msk [tilespmem:v5+s1+$0x0], $0xffff  }
0x5f: {  	v58 =	vld [tilespmem:s16+$0x1AB00];
	v0 =	vadd.f32 v2, v0  }
0x60: {  	v59 =	vld.idx.msk [tilespmem:v4+s1+$0x0], $0xffff  }
0x61: {  	v0 =	vadd.f32 v3, v0  }
0x62: {  	v60 =	vld.idx.msk [tilespmem:v6+s1+$0x0], $0xffff  }
0x63: {  	v0 =	vadd.f32 v57, v0  }
0x64: {  	v61 =	vld.idx.msk [tilespmem:v7+s1+$0x0], $0xffff  }
0x65: {  	v0 =	vadd.f32 v59, v0  }
0x66: {  	v62 =	vld.idx.msk [tilespmem:v8+s1+$0x0], $0xffff  }
0x67: {  	v0 =	vadd.f32 v60, v0  }
0x68: {  	v63 =	vld.idx.msk [tilespmem:v58+s1+$0x0], $0xffff  }
0x69: {  	v0 =	vadd.f32 v61, v0;
	_ =	sdelay $0x1  }
0x6a: {  	v0 =	vadd.f32 v62, v0;
	_ =	sdelay $0x1  }
0x6b: {  	v0 =	vadd.f32 v63, v0;
	_ =	sdelay $0x1  }
0x6c: {  	s12 =	sadd.s32 $0x1, s12;
	v0 =	vmul.f32 $1.000000010e-01, v0  }
0x6d: {  	s13 =	sadd.s32 $0x10, s13;
	p0 =	sne.s32 s12, s6  }
.Ltmp1:
0x6e: {  	[tilespmem:s13+$0x0] =	vst v0;
	(pc) =	sbr.rel @p0 .LBB2_1-.Ltmp1, $4  }
0x6f: {  	[hbm4b:s5+s7] =	stream.strided.scatter [tilespmem:s11], [sflag:$0x2], $0x400, s8, s7, $0x38;
	[tilespmem:$0x1B300] =	vst v63  }
0x70: {  	_ =	swait.ge [sflag:s9], $0x400  }
0x71: {  	[sflag:s9] =	ssyncset.done $0x0  }
0x72: {  	[sflag:s9] =	ssyncadd.s32 $0xFFFFFC00  }
0x73: {  	_ =	sfence.sel $0x180000  }
0x74: {  	[bflag:$0x0] =	sbarrier.arrive $0xFFFF  }
0x75: {  	p0 =	sne.s32 s2, $0x0;
	_ =	strace $0x90000047  }
0x76: {  	s0 =	sadd.s32 @!p0 $0x100000, s0;
	[bflag:$0x2] =	sbarrier.arrive $0xFFFF  }
0x77: {  	[sflag:s0] =	ssyncadd.tile.s32 @!p0 $0x1;
	_ =	shalt  }
.Lfunc_end2:
_tile_overlayer_lowered:
.L_overlay_start_2:
0x78: {  	(tag) =	ssettag $0x2  }
0x79: {  	s0 =	rddreg [dreg:$0x0];
	s2 =	stileid.u32  }
0x7a: {  	s1 =	rddreg [dreg:$0x1];
	p0 =	sne.s32 s2, $0x0  }
0x7b: {  	s3 =	rddreg [dreg:$0x2];
	[bflag:$0x3] =	sbarrier.arrive $0xFFFF;
	s2 =	simm.s32 @!p0 $0x1C02  }
0x7c: {  	[timem:s3], [sflag:s2] =	dma.local @!p0 [hbm:s0], s1  }
0x7d: {  	s0 =	simm.s32 @!p0 $0x2  }
0x7e: {  	_ =	swait.ge @!p0 [sflag:s0], s1  }
0x7f: {  	s1 =	ssub.s32 @!p0 $0x0, s1;
	[sflag:s0] =	ssyncset.done @!p0 $0x0  }
0x80: {  	[sflag:s0] =	ssyncadd.s32 @!p0 s1  }
0x81: {  	[bflag:$0x3] =	sbarrier.arrive $0xFFFF  }
0x82: {  	_ =	shalt  }

</sc_bundles>
